<compile_context>
chip_gen: v7x
topology: tpu7x:2x2x1
jax: 0.10.2.dev20260603
libtpu: 0.0.44.dev20260713+nightly
codegen_flags: <defaults>
</compile_context>

<pallas_src>
import functools

import jax
import jax.numpy as jnp
from jax import lax
from jax.experimental import pallas as pl
from jax.experimental.pallas import tpu as pltpu
from jax.experimental.pallas import tpu_sc as plsc

BATCH = 16384
FACTOR = 84
NC = 2
NS = 16
NW = NC * NS
B_PER_W = BATCH // NW
G_CHUNK = 128


def _sc_kernel(user_hbm, item_hbm, eut_hbm, eit_hbm, ub_hbm, ib_hbm, b0_hbm,
               out_hbm,
               idx_u, idx_i, ut_v, it_v, ubv, ibv, outv, b0v, sem):
    wid = lax.axis_index("s") * NC + lax.axis_index("c")
    base = wid * B_PER_W

    pltpu.sync_copy(user_hbm.at[pl.ds(base, B_PER_W)], idx_u)
    pltpu.sync_copy(item_hbm.at[pl.ds(base, B_PER_W)], idx_i)
    pltpu.sync_copy(b0_hbm, b0v)

    bias_cps = []
    for g in range(B_PER_W // G_CHUNK):
        sl = pl.ds(g * G_CHUNK, G_CHUNK)
        bias_cps.append(pltpu.async_copy(ub_hbm.at[idx_u.at[sl]], ubv.at[sl], sem))
        bias_cps.append(pltpu.async_copy(ib_hbm.at[idx_i.at[sl]], ibv.at[sl], sem))

    def gather_f(f, carry):
        for g in range(B_PER_W // G_CHUNK):
            sl = pl.ds(g * G_CHUNK, G_CHUNK)
            pltpu.make_async_copy(
                eut_hbm.at[f].at[idx_u.at[sl]], ut_v.at[f, sl], sem).start()
            pltpu.make_async_copy(
                eit_hbm.at[f].at[idx_i.at[sl]], it_v.at[f, sl], sem).start()
        return carry

    lax.fori_loop(0, FACTOR, gather_f, 0)

    pltpu.make_async_copy(eut_hbm.at[:, pl.ds(0, B_PER_W)], ut_v, sem).wait()
    pltpu.make_async_copy(eit_hbm.at[:, pl.ds(0, B_PER_W)], it_v, sem).wait()
    for cp in bias_cps:
        cp.wait()

    b0 = b0v[...]

    def grp_body(g, carry):
        sl = pl.ds(g * 16, 16)

        def f_body(f, acc):
            return acc + ut_v[f, sl] * it_v[f, sl]

        acc = lax.fori_loop(0, FACTOR, f_body, jnp.zeros((16,), jnp.float32))
        outv[sl] = acc + ubv[sl] + ibv[sl] + b0
        return carry

    lax.fori_loop(0, B_PER_W // 16, grp_body, 0)

    pltpu.sync_copy(outv, out_hbm.at[pl.ds(base, B_PER_W)])


@jax.jit
def kernel(user, item, embed_user, embed_item, u_bias, i_bias, bias_):
    mesh = plsc.VectorSubcoreMesh(core_axis_name="c", subcore_axis_name="s")
    k = functools.partial(
        pl.kernel,
        mesh=mesh,
        out_type=jax.ShapeDtypeStruct((BATCH,), jnp.float32),
        compiler_params=pltpu.CompilerParams(
            needs_layout_passes=False, use_tc_tiling_on_sc=False),
        scratch_types=[
            pltpu.VMEM((B_PER_W,), jnp.int32),
            pltpu.VMEM((B_PER_W,), jnp.int32),
            pltpu.VMEM((FACTOR, B_PER_W), jnp.float32),
            pltpu.VMEM((FACTOR, B_PER_W), jnp.float32),
            pltpu.VMEM((B_PER_W,), jnp.float32),
            pltpu.VMEM((B_PER_W,), jnp.float32),
            pltpu.VMEM((B_PER_W,), jnp.float32),
            pltpu.VMEM((16,), jnp.float32),
            pltpu.SemaphoreType.DMA,
        ],
    )(_sc_kernel)
    from jax.experimental.layout import Format, Layout, with_layout_constraint
    fmt = Layout(major_to_minor=(0, 1), tiling=((8,),))
    eut = with_layout_constraint(embed_user.T, fmt)
    eit = with_layout_constraint(embed_item.T, fmt)
    return k(user, item, eut, eit,
             u_bias.reshape(-1), i_bias.reshape(-1),
             jnp.broadcast_to(bias_, (16,)))

# --- scband reference (transcript-rebuilt; emitter-appended) ---
"""Pipeline reference for scband-point-fmv2-5308579578069 (READ-ONLY COPY).

The authoritative reference and input builder live on the scoring server;
editing this copy changes nothing except your own understanding.
"""

import jax, jax.numpy as jnp
import numpy as np

USER_NUM = 1000000
ITEM_NUM = 100000
FACTOR = 84
BATCH = 16384

def setup_inputs(seed: int = 0) -> dict:
    key = jax.random.key(seed)
    k1, k2, k3, k4 = jax.random.split(key, 4)
    user = jax.random.randint(k1, (BATCH,), 0, USER_NUM, dtype=jnp.int64 if jax.config.jax_enable_x64 else jnp.int32).astype(jnp.int32)
    item = jax.random.randint(k2, (BATCH,), 0, ITEM_NUM, dtype=jnp.int32)
    embed_user = jax.random.normal(k3, (USER_NUM, FACTOR), dtype=jnp.float32) * 0.01
    embed_item = jax.random.normal(k4, (ITEM_NUM, FACTOR), dtype=jnp.float32) * 0.01
    u_bias = jnp.zeros((USER_NUM, 1), dtype=jnp.float32)
    i_bias = jnp.zeros((ITEM_NUM, 1), dtype=jnp.float32)
    bias_ = jnp.zeros((1,), dtype=jnp.float32)
    return {"user": user, "item": item, "embed_user": embed_user, "embed_item": embed_item, "u_bias": u_bias, "i_bias": i_bias, "bias_": bias_}

def reference(user, item, embed_user, embed_item, u_bias, i_bias, bias_):
    eu = jnp.take(embed_user, user, axis=0)
    ei = jnp.take(embed_item, item, axis=0)
    pred = jnp.sum(eu * ei, axis=-1, keepdims=True)
    pred = pred + jnp.take(u_bias, user, axis=0) + jnp.take(i_bias, item, axis=0) + bias_
    return pred.reshape(-1)

if __name__ == "__main__":
    import jax
    _d = setup_inputs()
    print(jax.jit(kernel)(*tuple(_d.values())))

</pallas_src>

<mosaic_0001>
#map = affine_map<(d0, d1) -> (0)>
#map1 = affine_map<(d0, d1) -> (0, 0)>
module attributes {stable_mosaic.version = 14 : i64} {
  func.func @_sc_kernel(%arg0: i32, %arg1: i32, %arg2: memref<16384xi32, #tpu.memory_space<hbm>>, %arg3: memref<16384xi32, #tpu.memory_space<hbm>>, %arg4: memref<84x1000000xf32, #tpu.memory_space<hbm>>, %arg5: memref<84x100000xf32, #tpu.memory_space<hbm>>, %arg6: memref<1000000xf32, #tpu.memory_space<hbm>>, %arg7: memref<100000xf32, #tpu.memory_space<hbm>>, %arg8: memref<16xf32, #tpu.memory_space<hbm>>, %arg9: memref<16384xf32, #tpu.memory_space<hbm>>, %arg10: memref<512xi32, #tpu.memory_space<vmem>>, %arg11: memref<512xi32, #tpu.memory_space<vmem>>, %arg12: memref<84x512xf32, #tpu.memory_space<vmem>>, %arg13: memref<84x512xf32, #tpu.memory_space<vmem>>, %arg14: memref<512xf32, #tpu.memory_space<vmem>>, %arg15: memref<512xf32, #tpu.memory_space<vmem>>, %arg16: memref<512xf32, #tpu.memory_space<vmem>>, %arg17: memref<16xf32, #tpu.memory_space<vmem>>, %arg18: memref<!tpu.dma_semaphore, #tpu.memory_space<semaphore_mem>>) attributes {dimension_semantics = [#tpu.dimension_semantics<core_parallel>, #tpu.dimension_semantics<subcore_parallel>], iteration_bounds = array<i64: 2, 16>, scalar_prefetch = 0 : i64, scratch_operands = 9 : i64, tpu.core_type = #tpu.core_type<sc_vector_subcore>, window_params = [{transform_indices = #map}, {transform_indices = #map}, {transform_indices = #map1}, {transform_indices = #map1}, {transform_indices = #map}, {transform_indices = #map}, {transform_indices = #map}, {transform_indices = #map}]} {
    %mul3A = arith.constant 2 : i32
    %mul3A_0 = arith.muli %arg1, %mul3A : i32
    %add3A = arith.addi %mul3A_0, %arg0 : i32
    %mul3A_1 = arith.constant 512 : i32
    %mul3A_2 = arith.muli %add3A, %mul3A_1 : i32
    "tpu.region"() ({
      %run_scoped3A = tpu.sem_alloc : memref<!tpu.dma_semaphore, #tpu.memory_space<semaphore_mem>>
      %dma_start3A_121 = tpu.memref_slice %arg2[%mul3A_2] : memref<16384xi32, #tpu.memory_space<hbm>> -> memref<512xi32, #tpu.memory_space<hbm>>
      %dma_start3A_122 = tpu.memref_slice %arg2[%mul3A_2] : memref<16384xi32, #tpu.memory_space<hbm>> -> memref<512xi32, #tpu.memory_space<hbm>>
      tpu.enqueue_dma source(%dma_start3A_122 : memref<512xi32, #tpu.memory_space<hbm>>) target(%arg10 : memref<512xi32, #tpu.memory_space<vmem>>) target_semaphore(%run_scoped3A : memref<!tpu.dma_semaphore, #tpu.memory_space<semaphore_mem>>)
      %dma_wait3A_123 = tpu.memref_slice %arg2[%mul3A_2] : memref<16384xi32, #tpu.memory_space<hbm>> -> memref<512xi32, #tpu.memory_space<hbm>>
      %dma_wait3A_124 = tpu.memref_slice %arg2[%mul3A_2] : memref<16384xi32, #tpu.memory_space<hbm>> -> memref<512xi32, #tpu.memory_space<hbm>>
      tpu.wait_dma2 semaphore(%run_scoped3A : memref<!tpu.dma_semaphore, #tpu.memory_space<semaphore_mem>>) src(%dma_wait3A_124 : memref<512xi32, #tpu.memory_space<hbm>>) dst(%arg10 : memref<512xi32, #tpu.memory_space<vmem>>)
      tpu.yield
    }) : () -> ()
    "tpu.region"() ({
      %run_scoped3A = tpu.sem_alloc : memref<!tpu.dma_semaphore, #tpu.memory_space<semaphore_mem>>
      %dma_start3A_121 = tpu.memref_slice %arg3[%mul3A_2] : memref<16384xi32, #tpu.memory_space<hbm>> -> memref<512xi32, #tpu.memory_space<hbm>>
      %dma_start3A_122 = tpu.memref_slice %arg3[%mul3A_2] : memref<16384xi32, #tpu.memory_space<hbm>> -> memref<512xi32, #tpu.memory_space<hbm>>
      tpu.enqueue_dma source(%dma_start3A_122 : memref<512xi32, #tpu.memory_space<hbm>>) target(%arg11 : memref<512xi32, #tpu.memory_space<vmem>>) target_semaphore(%run_scoped3A : memref<!tpu.dma_semaphore, #tpu.memory_space<semaphore_mem>>)
      %dma_wait3A_123 = tpu.memref_slice %arg3[%mul3A_2] : memref<16384xi32, #tpu.memory_space<hbm>> -> memref<512xi32, #tpu.memory_space<hbm>>
      %dma_wait3A_124 = tpu.memref_slice %arg3[%mul3A_2] : memref<16384xi32, #tpu.memory_space<hbm>> -> memref<512xi32, #tpu.memory_space<hbm>>
      tpu.wait_dma2 semaphore(%run_scoped3A : memref<!tpu.dma_semaphore, #tpu.memory_space<semaphore_mem>>) src(%dma_wait3A_124 : memref<512xi32, #tpu.memory_space<hbm>>) dst(%arg11 : memref<512xi32, #tpu.memory_space<vmem>>)
      tpu.yield
    }) : () -> ()
    "tpu.region"() ({
      %run_scoped3A = tpu.sem_alloc : memref<!tpu.dma_semaphore, #tpu.memory_space<semaphore_mem>>
      tpu.enqueue_dma source(%arg8 : memref<16xf32, #tpu.memory_space<hbm>>) target(%arg17 : memref<16xf32, #tpu.memory_space<vmem>>) target_semaphore(%run_scoped3A : memref<!tpu.dma_semaphore, #tpu.memory_space<semaphore_mem>>)
      tpu.wait_dma2 semaphore(%run_scoped3A : memref<!tpu.dma_semaphore, #tpu.memory_space<semaphore_mem>>) src(%arg8 : memref<16xf32, #tpu.memory_space<hbm>>) dst(%arg17 : memref<16xf32, #tpu.memory_space<vmem>>)
      tpu.yield
    }) : () -> ()
    %dma_start3A = arith.constant 0 : i32
    %dma_start3A_3 = tpu.memref_slice %arg14[%dma_start3A] : memref<512xf32, #tpu.memory_space<vmem>> -> memref<128xf32, #tpu.memory_space<vmem>>
    %dma_start3A_4 = arith.constant 0 : i32
    %dma_start3A_5 = tpu.memref_slice %arg10[%dma_start3A_4] : memref<512xi32, #tpu.memory_space<vmem>> -> memref<128xi32, #tpu.memory_space<vmem>>
    %dma_start3A_6 = arith.constant 0 : i32
    %dma_start3A_7 = tpu.memref_slice %arg6[%dma_start3A_6] : memref<1000000xf32, #tpu.memory_space<hbm>> -> memref<1000000xf32, #tpu.memory_space<hbm>>
    tpu.enqueue_indirect_dma source(%dma_start3A_7 : memref<1000000xf32, #tpu.memory_space<hbm>>) target(%dma_start3A_3 : memref<128xf32, #tpu.memory_space<vmem>>) offsets(%dma_start3A_5 : memref<128xi32, #tpu.memory_space<vmem>>) semaphore(%arg18 : memref<!tpu.dma_semaphore, #tpu.memory_space<semaphore_mem>>)
    %dma_start3A_8 = arith.constant 0 : i32
    %dma_start3A_9 = tpu.memref_slice %arg15[%dma_start3A_8] : memref<512xf32, #tpu.memory_space<vmem>> -> memref<128xf32, #tpu.memory_space<vmem>>
    %dma_start3A_10 = arith.constant 0 : i32
    %dma_start3A_11 = tpu.memref_slice %arg11[%dma_start3A_10] : memref<512xi32, #tpu.memory_space<vmem>> -> memref<128xi32, #tpu.memory_space<vmem>>
    %dma_start3A_12 = arith.constant 0 : i32
    %dma_start3A_13 = tpu.memref_slice %arg7[%dma_start3A_12] : memref<100000xf32, #tpu.memory_space<hbm>> -> memref<100000xf32, #tpu.memory_space<hbm>>
    tpu.enqueue_indirect_dma source(%dma_start3A_13 : memref<100000xf32, #tpu.memory_space<hbm>>) target(%dma_start3A_9 : memref<128xf32, #tpu.memory_space<vmem>>) offsets(%dma_start3A_11 : memref<128xi32, #tpu.memory_space<vmem>>) semaphore(%arg18 : memref<!tpu.dma_semaphore, #tpu.memory_space<semaphore_mem>>)
    %dma_start3A_14 = arith.constant 128 : i32
    %dma_start3A_15 = tpu.memref_slice %arg14[%dma_start3A_14] : memref<512xf32, #tpu.memory_space<vmem>> -> memref<128xf32, #tpu.memory_space<vmem>>
    %dma_start3A_16 = arith.constant 128 : i32
    %dma_start3A_17 = tpu.memref_slice %arg10[%dma_start3A_16] : memref<512xi32, #tpu.memory_space<vmem>> -> memref<128xi32, #tpu.memory_space<vmem>>
    %dma_start3A_18 = arith.constant 0 : i32
    %dma_start3A_19 = tpu.memref_slice %arg6[%dma_start3A_18] : memref<1000000xf32, #tpu.memory_space<hbm>> -> memref<1000000xf32, #tpu.memory_space<hbm>>
    tpu.enqueue_indirect_dma source(%dma_start3A_19 : memref<1000000xf32, #tpu.memory_space<hbm>>) target(%dma_start3A_15 : memref<128xf32, #tpu.memory_space<vmem>>) offsets(%dma_start3A_17 : memref<128xi32, #tpu.memory_space<vmem>>) semaphore(%arg18 : memref<!tpu.dma_semaphore, #tpu.memory_space<semaphore_mem>>)
    %dma_start3A_20 = arith.constant 128 : i32
    %dma_start3A_21 = tpu.memref_slice %arg15[%dma_start3A_20] : memref<512xf32, #tpu.memory_space<vmem>> -> memref<128xf32, #tpu.memory_space<vmem>>
    %dma_start3A_22 = arith.constant 128 : i32
    %dma_start3A_23 = tpu.memref_slice %arg11[%dma_start3A_22] : memref<512xi32, #tpu.memory_space<vmem>> -> memref<128xi32, #tpu.memory_space<vmem>>
    %dma_start3A_24 = arith.constant 0 : i32
    %dma_start3A_25 = tpu.memref_slice %arg7[%dma_start3A_24] : memref<100000xf32, #tpu.memory_space<hbm>> -> memref<100000xf32, #tpu.memory_space<hbm>>
    tpu.enqueue_indirect_dma source(%dma_start3A_25 : memref<100000xf32, #tpu.memory_space<hbm>>) target(%dma_start3A_21 : memref<128xf32, #tpu.memory_space<vmem>>) offsets(%dma_start3A_23 : memref<128xi32, #tpu.memory_space<vmem>>) semaphore(%arg18 : memref<!tpu.dma_semaphore, #tpu.memory_space<semaphore_mem>>)
    %dma_start3A_26 = arith.constant 256 : i32
    %dma_start3A_27 = tpu.memref_slice %arg14[%dma_start3A_26] : memref<512xf32, #tpu.memory_space<vmem>> -> memref<128xf32, #tpu.memory_space<vmem>>
    %dma_start3A_28 = arith.constant 256 : i32
    %dma_start3A_29 = tpu.memref_slice %arg10[%dma_start3A_28] : memref<512xi32, #tpu.memory_space<vmem>> -> memref<128xi32, #tpu.memory_space<vmem>>
    %dma_start3A_30 = arith.constant 0 : i32
    %dma_start3A_31 = tpu.memref_slice %arg6[%dma_start3A_30] : memref<1000000xf32, #tpu.memory_space<hbm>> -> memref<1000000xf32, #tpu.memory_space<hbm>>
    tpu.enqueue_indirect_dma source(%dma_start3A_31 : memref<1000000xf32, #tpu.memory_space<hbm>>) target(%dma_start3A_27 : memref<128xf32, #tpu.memory_space<vmem>>) offsets(%dma_start3A_29 : memref<128xi32, #tpu.memory_space<vmem>>) semaphore(%arg18 : memref<!tpu.dma_semaphore, #tpu.memory_space<semaphore_mem>>)
    %dma_start3A_32 = arith.constant 256 : i32
    %dma_start3A_33 = tpu.memref_slice %arg15[%dma_start3A_32] : memref<512xf32, #tpu.memory_space<vmem>> -> memref<128xf32, #tpu.memory_space<vmem>>
    %dma_start3A_34 = arith.constant 256 : i32
    %dma_start3A_35 = tpu.memref_slice %arg11[%dma_start3A_34] : memref<512xi32, #tpu.memory_space<vmem>> -> memref<128xi32, #tpu.memory_space<vmem>>
    %dma_start3A_36 = arith.constant 0 : i32
    %dma_start3A_37 = tpu.memref_slice %arg7[%dma_start3A_36] : memref<100000xf32, #tpu.memory_space<hbm>> -> memref<100000xf32, #tpu.memory_space<hbm>>
    tpu.enqueue_indirect_dma source(%dma_start3A_37 : memref<100000xf32, #tpu.memory_space<hbm>>) target(%dma_start3A_33 : memref<128xf32, #tpu.memory_space<vmem>>) offsets(%dma_start3A_35 : memref<128xi32, #tpu.memory_space<vmem>>) semaphore(%arg18 : memref<!tpu.dma_semaphore, #tpu.memory_space<semaphore_mem>>)
    %dma_start3A_38 = arith.constant 384 : i32
    %dma_start3A_39 = tpu.memref_slice %arg14[%dma_start3A_38] : memref<512xf32, #tpu.memory_space<vmem>> -> memref<128xf32, #tpu.memory_space<vmem>>
    %dma_start3A_40 = arith.constant 384 : i32
    %dma_start3A_41 = tpu.memref_slice %arg10[%dma_start3A_40] : memref<512xi32, #tpu.memory_space<vmem>> -> memref<128xi32, #tpu.memory_space<vmem>>
    %dma_start3A_42 = arith.constant 0 : i32
    %dma_start3A_43 = tpu.memref_slice %arg6[%dma_start3A_42] : memref<1000000xf32, #tpu.memory_space<hbm>> -> memref<1000000xf32, #tpu.memory_space<hbm>>
    tpu.enqueue_indirect_dma source(%dma_start3A_43 : memref<1000000xf32, #tpu.memory_space<hbm>>) target(%dma_start3A_39 : memref<128xf32, #tpu.memory_space<vmem>>) offsets(%dma_start3A_41 : memref<128xi32, #tpu.memory_space<vmem>>) semaphore(%arg18 : memref<!tpu.dma_semaphore, #tpu.memory_space<semaphore_mem>>)
    %dma_start3A_44 = arith.constant 384 : i32
    %dma_start3A_45 = tpu.memref_slice %arg15[%dma_start3A_44] : memref<512xf32, #tpu.memory_space<vmem>> -> memref<128xf32, #tpu.memory_space<vmem>>
    %dma_start3A_46 = arith.constant 384 : i32
    %dma_start3A_47 = tpu.memref_slice %arg11[%dma_start3A_46] : memref<512xi32, #tpu.memory_space<vmem>> -> memref<128xi32, #tpu.memory_space<vmem>>
    %dma_start3A_48 = arith.constant 0 : i32
    %dma_start3A_49 = tpu.memref_slice %arg7[%dma_start3A_48] : memref<100000xf32, #tpu.memory_space<hbm>> -> memref<100000xf32, #tpu.memory_space<hbm>>
    tpu.enqueue_indirect_dma source(%dma_start3A_49 : memref<100000xf32, #tpu.memory_space<hbm>>) target(%dma_start3A_45 : memref<128xf32, #tpu.memory_space<vmem>>) offsets(%dma_start3A_47 : memref<128xi32, #tpu.memory_space<vmem>>) semaphore(%arg18 : memref<!tpu.dma_semaphore, #tpu.memory_space<semaphore_mem>>)
    %scan3A = arith.constant 0 : i32
    %scan3A_50 = arith.constant 0 : i32
    %scan3A_51 = arith.constant 84 : i32
    %scan3A_52 = arith.addi %scan3A_50, %scan3A_51 : i32
    %scan3A_53 = arith.constant 1 : i32
    scf.for %scan3A_121 = %scan3A_50 to %scan3A_52 step %scan3A_53  : i32 {
      %dma_start3A_122 = arith.constant 0 : i32
      %dma_start3A_123 = tpu.memref_slice %arg12[%scan3A_121, %dma_start3A_122] : memref<84x512xf32, #tpu.memory_space<vmem>> -> memref<1x128xf32, #tpu.memory_space<vmem>>
      %dma_start3A_124 = tpu.memref_squeeze %dma_start3A_123 : memref<1x128xf32, #tpu.memory_space<vmem>> -> memref<128xf32, #tpu.memory_space<vmem>>
      %dma_start3A_125 = arith.constant 0 : i32
      %dma_start3A_126 = tpu.memref_slice %arg10[%dma_start3A_125] : memref<512xi32, #tpu.memory_space<vmem>> -> memref<128xi32, #tpu.memory_space<vmem>>
      %dma_start3A_127 = arith.constant 0 : i32
      %dma_start3A_128 = tpu.memref_slice %arg4[%scan3A_121, %dma_start3A_127] : memref<84x1000000xf32, #tpu.memory_space<hbm>> -> memref<1x1000000xf32, #tpu.memory_space<hbm>>
      %dma_start3A_129 = tpu.memref_squeeze %dma_start3A_128 : memref<1x1000000xf32, #tpu.memory_space<hbm>> -> memref<1000000xf32, #tpu.memory_space<hbm>>
      %dma_start3A_130 = arith.constant 0 : i32
      %dma_start3A_131 = tpu.memref_slice %dma_start3A_129[%dma_start3A_130] : memref<1000000xf32, #tpu.memory_space<hbm>> -> memref<1000000xf32, #tpu.memory_space<hbm>>
      tpu.enqueue_indirect_dma source(%dma_start3A_131 : memref<1000000xf32, #tpu.memory_space<hbm>>) target(%dma_start3A_124 : memref<128xf32, #tpu.memory_space<vmem>>) offsets(%dma_start3A_126 : memref<128xi32, #tpu.memory_space<vmem>>) semaphore(%arg18 : memref<!tpu.dma_semaphore, #tpu.memory_space<semaphore_mem>>)
      %dma_start3A_132 = arith.constant 0 : i32
      %dma_start3A_133 = tpu.memref_slice %arg13[%scan3A_121, %dma_start3A_132] : memref<84x512xf32, #tpu.memory_space<vmem>> -> memref<1x128xf32, #tpu.memory_space<vmem>>
      %dma_start3A_134 = tpu.memref_squeeze %dma_start3A_133 : memref<1x128xf32, #tpu.memory_space<vmem>> -> memref<128xf32, #tpu.memory_space<vmem>>
      %dma_start3A_135 = arith.constant 0 : i32
      %dma_start3A_136 = tpu.memref_slice %arg11[%dma_start3A_135] : memref<512xi32, #tpu.memory_space<vmem>> -> memref<128xi32, #tpu.memory_space<vmem>>
      %dma_start3A_137 = arith.constant 0 : i32
      %dma_start3A_138 = tpu.memref_slice %arg5[%scan3A_121, %dma_start3A_137] : memref<84x100000xf32, #tpu.memory_space<hbm>> -> memref<1x100000xf32, #tpu.memory_space<hbm>>
      %dma_start3A_139 = tpu.memref_squeeze %dma_start3A_138 : memref<1x100000xf32, #tpu.memory_space<hbm>> -> memref<100000xf32, #tpu.memory_space<hbm>>
      %dma_start3A_140 = arith.constant 0 : i32
      %dma_start3A_141 = tpu.memref_slice %dma_start3A_139[%dma_start3A_140] : memref<100000xf32, #tpu.memory_space<hbm>> -> memref<100000xf32, #tpu.memory_space<hbm>>
      tpu.enqueue_indirect_dma source(%dma_start3A_141 : memref<100000xf32, #tpu.memory_space<hbm>>) target(%dma_start3A_134 : memref<128xf32, #tpu.memory_space<vmem>>) offsets(%dma_start3A_136 : memref<128xi32, #tpu.memory_space<vmem>>) semaphore(%arg18 : memref<!tpu.dma_semaphore, #tpu.memory_space<semaphore_mem>>)
      %dma_start3A_142 = arith.constant 128 : i32
      %dma_start3A_143 = tpu.memref_slice %arg12[%scan3A_121, %dma_start3A_142] : memref<84x512xf32, #tpu.memory_space<vmem>> -> memref<1x128xf32, #tpu.memory_space<vmem>>
      %dma_start3A_144 = tpu.memref_squeeze %dma_start3A_143 : memref<1x128xf32, #tpu.memory_space<vmem>> -> memref<128xf32, #tpu.memory_space<vmem>>
      %dma_start3A_145 = arith.constant 128 : i32
      %dma_start3A_146 = tpu.memref_slice %arg10[%dma_start3A_145] : memref<512xi32, #tpu.memory_space<vmem>> -> memref<128xi32, #tpu.memory_space<vmem>>
      %dma_start3A_147 = arith.constant 0 : i32
      %dma_start3A_148 = tpu.memref_slice %arg4[%scan3A_121, %dma_start3A_147] : memref<84x1000000xf32, #tpu.memory_space<hbm>> -> memref<1x1000000xf32, #tpu.memory_space<hbm>>
      %dma_start3A_149 = tpu.memref_squeeze %dma_start3A_148 : memref<1x1000000xf32, #tpu.memory_space<hbm>> -> memref<1000000xf32, #tpu.memory_space<hbm>>
      %dma_start3A_150 = arith.constant 0 : i32
      %dma_start3A_151 = tpu.memref_slice %dma_start3A_149[%dma_start3A_150] : memref<1000000xf32, #tpu.memory_space<hbm>> -> memref<1000000xf32, #tpu.memory_space<hbm>>
      tpu.enqueue_indirect_dma source(%dma_start3A_151 : memref<1000000xf32, #tpu.memory_space<hbm>>) target(%dma_start3A_144 : memref<128xf32, #tpu.memory_space<vmem>>) offsets(%dma_start3A_146 : memref<128xi32, #tpu.memory_space<vmem>>) semaphore(%arg18 : memref<!tpu.dma_semaphore, #tpu.memory_space<semaphore_mem>>)
      %dma_start3A_152 = arith.constant 128 : i32
      %dma_start3A_153 = tpu.memref_slice %arg13[%scan3A_121, %dma_start3A_152] : memref<84x512xf32, #tpu.memory_space<vmem>> -> memref<1x128xf32, #tpu.memory_space<vmem>>
      %dma_start3A_154 = tpu.memref_squeeze %dma_start3A_153 : memref<1x128xf32, #tpu.memory_space<vmem>> -> memref<128xf32, #tpu.memory_space<vmem>>
      %dma_start3A_155 = arith.constant 128 : i32
      %dma_start3A_156 = tpu.memref_slice %arg11[%dma_start3A_155] : memref<512xi32, #tpu.memory_space<vmem>> -> memref<128xi32, #tpu.memory_space<vmem>>
      %dma_start3A_157 = arith.constant 0 : i32
      %dma_start3A_158 = tpu.memref_slice %arg5[%scan3A_121, %dma_start3A_157] : memref<84x100000xf32, #tpu.memory_space<hbm>> -> memref<1x100000xf32, #tpu.memory_space<hbm>>
      %dma_start3A_159 = tpu.memref_squeeze %dma_start3A_158 : memref<1x100000xf32, #tpu.memory_space<hbm>> -> memref<100000xf32, #tpu.memory_space<hbm>>
      %dma_start3A_160 = arith.constant 0 : i32
      %dma_start3A_161 = tpu.memref_slice %dma_start3A_159[%dma_start3A_160] : memref<100000xf32, #tpu.memory_space<hbm>> -> memref<100000xf32, #tpu.memory_space<hbm>>
      tpu.enqueue_indirect_dma source(%dma_start3A_161 : memref<100000xf32, #tpu.memory_space<hbm>>) target(%dma_start3A_154 : memref<128xf32, #tpu.memory_space<vmem>>) offsets(%dma_start3A_156 : memref<128xi32, #tpu.memory_space<vmem>>) semaphore(%arg18 : memref<!tpu.dma_semaphore, #tpu.memory_space<semaphore_mem>>)
      %dma_start3A_162 = arith.constant 256 : i32
      %dma_start3A_163 = tpu.memref_slice %arg12[%scan3A_121, %dma_start3A_162] : memref<84x512xf32, #tpu.memory_space<vmem>> -> memref<1x128xf32, #tpu.memory_space<vmem>>
      %dma_start3A_164 = tpu.memref_squeeze %dma_start3A_163 : memref<1x128xf32, #tpu.memory_space<vmem>> -> memref<128xf32, #tpu.memory_space<vmem>>
      %dma_start3A_165 = arith.constant 256 : i32
      %dma_start3A_166 = tpu.memref_slice %arg10[%dma_start3A_165] : memref<512xi32, #tpu.memory_space<vmem>> -> memref<128xi32, #tpu.memory_space<vmem>>
      %dma_start3A_167 = arith.constant 0 : i32
      %dma_start3A_168 = tpu.memref_slice %arg4[%scan3A_121, %dma_start3A_167] : memref<84x1000000xf32, #tpu.memory_space<hbm>> -> memref<1x1000000xf32, #tpu.memory_space<hbm>>
      %dma_start3A_169 = tpu.memref_squeeze %dma_start3A_168 : memref<1x1000000xf32, #tpu.memory_space<hbm>> -> memref<1000000xf32, #tpu.memory_space<hbm>>
      %dma_start3A_170 = arith.constant 0 : i32
      %dma_start3A_171 = tpu.memref_slice %dma_start3A_169[%dma_start3A_170] : memref<1000000xf32, #tpu.memory_space<hbm>> -> memref<1000000xf32, #tpu.memory_space<hbm>>
      tpu.enqueue_indirect_dma source(%dma_start3A_171 : memref<1000000xf32, #tpu.memory_space<hbm>>) target(%dma_start3A_164 : memref<128xf32, #tpu.memory_space<vmem>>) offsets(%dma_start3A_166 : memref<128xi32, #tpu.memory_space<vmem>>) semaphore(%arg18 : memref<!tpu.dma_semaphore, #tpu.memory_space<semaphore_mem>>)
      %dma_start3A_172 = arith.constant 256 : i32
      %dma_start3A_173 = tpu.memref_slice %arg13[%scan3A_121, %dma_start3A_172] : memref<84x512xf32, #tpu.memory_space<vmem>> -> memref<1x128xf32, #tpu.memory_space<vmem>>
      %dma_start3A_174 = tpu.memref_squeeze %dma_start3A_173 : memref<1x128xf32, #tpu.memory_space<vmem>> -> memref<128xf32, #tpu.memory_space<vmem>>
      %dma_start3A_175 = arith.constant 256 : i32
      %dma_start3A_176 = tpu.memref_slice %arg11[%dma_start3A_175] : memref<512xi32, #tpu.memory_space<vmem>> -> memref<128xi32, #tpu.memory_space<vmem>>
      %dma_start3A_177 = arith.constant 0 : i32
      %dma_start3A_178 = tpu.memref_slice %arg5[%scan3A_121, %dma_start3A_177] : memref<84x100000xf32, #tpu.memory_space<hbm>> -> memref<1x100000xf32, #tpu.memory_space<hbm>>
      %dma_start3A_179 = tpu.memref_squeeze %dma_start3A_178 : memref<1x100000xf32, #tpu.memory_space<hbm>> -> memref<100000xf32, #tpu.memory_space<hbm>>
      %dma_start3A_180 = arith.constant 0 : i32
      %dma_start3A_181 = tpu.memref_slice %dma_start3A_179[%dma_start3A_180] : memref<100000xf32, #tpu.memory_space<hbm>> -> memref<100000xf32, #tpu.memory_space<hbm>>
      tpu.enqueue_indirect_dma source(%dma_start3A_181 : memref<100000xf32, #tpu.memory_space<hbm>>) target(%dma_start3A_174 : memref<128xf32, #tpu.memory_space<vmem>>) offsets(%dma_start3A_176 : memref<128xi32, #tpu.memory_space<vmem>>) semaphore(%arg18 : memref<!tpu.dma_semaphore, #tpu.memory_space<semaphore_mem>>)
      %dma_start3A_182 = arith.constant 384 : i32
      %dma_start3A_183 = tpu.memref_slice %arg12[%scan3A_121, %dma_start3A_182] : memref<84x512xf32, #tpu.memory_space<vmem>> -> memref<1x128xf32, #tpu.memory_space<vmem>>
      %dma_start3A_184 = tpu.memref_squeeze %dma_start3A_183 : memref<1x128xf32, #tpu.memory_space<vmem>> -> memref<128xf32, #tpu.memory_space<vmem>>
      %dma_start3A_185 = arith.constant 384 : i32
      %dma_start3A_186 = tpu.memref_slice %arg10[%dma_start3A_185] : memref<512xi32, #tpu.memory_space<vmem>> -> memref<128xi32, #tpu.memory_space<vmem>>
      %dma_start3A_187 = arith.constant 0 : i32
      %dma_start3A_188 = tpu.memref_slice %arg4[%scan3A_121, %dma_start3A_187] : memref<84x1000000xf32, #tpu.memory_space<hbm>> -> memref<1x1000000xf32, #tpu.memory_space<hbm>>
      %dma_start3A_189 = tpu.memref_squeeze %dma_start3A_188 : memref<1x1000000xf32, #tpu.memory_space<hbm>> -> memref<1000000xf32, #tpu.memory_space<hbm>>
      %dma_start3A_190 = arith.constant 0 : i32
      %dma_start3A_191 = tpu.memref_slice %dma_start3A_189[%dma_start3A_190] : memref<1000000xf32, #tpu.memory_space<hbm>> -> memref<1000000xf32, #tpu.memory_space<hbm>>
      tpu.enqueue_indirect_dma source(%dma_start3A_191 : memref<1000000xf32, #tpu.memory_space<hbm>>) target(%dma_start3A_184 : memref<128xf32, #tpu.memory_space<vmem>>) offsets(%dma_start3A_186 : memref<128xi32, #tpu.memory_space<vmem>>) semaphore(%arg18 : memref<!tpu.dma_semaphore, #tpu.memory_space<semaphore_mem>>)
      %dma_start3A_192 = arith.constant 384 : i32
      %dma_start3A_193 = tpu.memref_slice %arg13[%scan3A_121, %dma_start3A_192] : memref<84x512xf32, #tpu.memory_space<vmem>> -> memref<1x128xf32, #tpu.memory_space<vmem>>
      %dma_start3A_194 = tpu.memref_squeeze %dma_start3A_193 : memref<1x128xf32, #tpu.memory_space<vmem>> -> memref<128xf32, #tpu.memory_space<vmem>>
      %dma_start3A_195 = arith.constant 384 : i32
      %dma_start3A_196 = tpu.memref_slice %arg11[%dma_start3A_195] : memref<512xi32, #tpu.memory_space<vmem>> -> memref<128xi32, #tpu.memory_space<vmem>>
      %dma_start3A_197 = arith.constant 0 : i32
      %dma_start3A_198 = tpu.memref_slice %arg5[%scan3A_121, %dma_start3A_197] : memref<84x100000xf32, #tpu.memory_space<hbm>> -> memref<1x100000xf32, #tpu.memory_space<hbm>>
      %dma_start3A_199 = tpu.memref_squeeze %dma_start3A_198 : memref<1x100000xf32, #tpu.memory_space<hbm>> -> memref<100000xf32, #tpu.memory_space<hbm>>
      %dma_start3A_200 = arith.constant 0 : i32
      %dma_start3A_201 = tpu.memref_slice %dma_start3A_199[%dma_start3A_200] : memref<100000xf32, #tpu.memory_space<hbm>> -> memref<100000xf32, #tpu.memory_space<hbm>>
      tpu.enqueue_indirect_dma source(%dma_start3A_201 : memref<100000xf32, #tpu.memory_space<hbm>>) target(%dma_start3A_194 : memref<128xf32, #tpu.memory_space<vmem>>) offsets(%dma_start3A_196 : memref<128xi32, #tpu.memory_space<vmem>>) semaphore(%arg18 : memref<!tpu.dma_semaphore, #tpu.memory_space<semaphore_mem>>)
    }
    %scan3A_54 = arith.constant 84 : i32
    %dma_wait3A = arith.constant 0 : i32
    %dma_wait3A_55 = arith.constant 0 : i32
    %dma_wait3A_56 = tpu.memref_slice %arg4[%dma_wait3A, %dma_wait3A_55] : memref<84x1000000xf32, #tpu.memory_space<hbm>> -> memref<84x512xf32, #tpu.memory_space<hbm>>
    %dma_wait3A_57 = arith.constant 0 : i32
    %dma_wait3A_58 = arith.constant 0 : i32
    %dma_wait3A_59 = tpu.memref_slice %arg4[%dma_wait3A_57, %dma_wait3A_58] : memref<84x1000000xf32, #tpu.memory_space<hbm>> -> memref<84x512xf32, #tpu.memory_space<hbm>>
    tpu.wait_dma2 semaphore(%arg18 : memref<!tpu.dma_semaphore, #tpu.memory_space<semaphore_mem>>) src(%dma_wait3A_59 : memref<84x512xf32, #tpu.memory_space<hbm>>) dst(%arg12 : memref<84x512xf32, #tpu.memory_space<vmem>>)
    %dma_wait3A_60 = arith.constant 0 : i32
    %dma_wait3A_61 = arith.constant 0 : i32
    %dma_wait3A_62 = tpu.memref_slice %arg5[%dma_wait3A_60, %dma_wait3A_61] : memref<84x100000xf32, #tpu.memory_space<hbm>> -> memref<84x512xf32, #tpu.memory_space<hbm>>
    %dma_wait3A_63 = arith.constant 0 : i32
    %dma_wait3A_64 = arith.constant 0 : i32
    %dma_wait3A_65 = tpu.memref_slice %arg5[%dma_wait3A_63, %dma_wait3A_64] : memref<84x100000xf32, #tpu.memory_space<hbm>> -> memref<84x512xf32, #tpu.memory_space<hbm>>
    tpu.wait_dma2 semaphore(%arg18 : memref<!tpu.dma_semaphore, #tpu.memory_space<semaphore_mem>>) src(%dma_wait3A_65 : memref<84x512xf32, #tpu.memory_space<hbm>>) dst(%arg13 : memref<84x512xf32, #tpu.memory_space<vmem>>)
    %dma_wait3A_66 = arith.constant 0 : i32
    %dma_wait3A_67 = tpu.memref_slice %arg14[%dma_wait3A_66] : memref<512xf32, #tpu.memory_space<vmem>> -> memref<128xf32, #tpu.memory_space<vmem>>
    %dma_wait3A_68 = arith.constant 0 : i32
    %dma_wait3A_69 = tpu.memref_slice %arg10[%dma_wait3A_68] : memref<512xi32, #tpu.memory_space<vmem>> -> memref<128xi32, #tpu.memory_space<vmem>>
    %dma_wait3A_70 = arith.constant 0 : i32
    %dma_wait3A_71 = tpu.memref_slice %arg6[%dma_wait3A_70] : memref<1000000xf32, #tpu.memory_space<hbm>> -> memref<1000000xf32, #tpu.memory_space<hbm>>
    tpu.wait_indirect_dma semaphore(%arg18 : memref<!tpu.dma_semaphore, #tpu.memory_space<semaphore_mem>>) src(%dma_wait3A_71 : memref<1000000xf32, #tpu.memory_space<hbm>>) dst(%dma_wait3A_67 : memref<128xf32, #tpu.memory_space<vmem>>)
    %dma_wait3A_72 = arith.constant 0 : i32
    %dma_wait3A_73 = tpu.memref_slice %arg15[%dma_wait3A_72] : memref<512xf32, #tpu.memory_space<vmem>> -> memref<128xf32, #tpu.memory_space<vmem>>
    %dma_wait3A_74 = arith.constant 0 : i32
    %dma_wait3A_75 = tpu.memref_slice %arg11[%dma_wait3A_74] : memref<512xi32, #tpu.memory_space<vmem>> -> memref<128xi32, #tpu.memory_space<vmem>>
    %dma_wait3A_76 = arith.constant 0 : i32
    %dma_wait3A_77 = tpu.memref_slice %arg7[%dma_wait3A_76] : memref<100000xf32, #tpu.memory_space<hbm>> -> memref<100000xf32, #tpu.memory_space<hbm>>
    tpu.wait_indirect_dma semaphore(%arg18 : memref<!tpu.dma_semaphore, #tpu.memory_space<semaphore_mem>>) src(%dma_wait3A_77 : memref<100000xf32, #tpu.memory_space<hbm>>) dst(%dma_wait3A_73 : memref<128xf32, #tpu.memory_space<vmem>>)
    %dma_wait3A_78 = arith.constant 128 : i32
    %dma_wait3A_79 = tpu.memref_slice %arg14[%dma_wait3A_78] : memref<512xf32, #tpu.memory_space<vmem>> -> memref<128xf32, #tpu.memory_space<vmem>>
    %dma_wait3A_80 = arith.constant 128 : i32
    %dma_wait3A_81 = tpu.memref_slice %arg10[%dma_wait3A_80] : memref<512xi32, #tpu.memory_space<vmem>> -> memref<128xi32, #tpu.memory_space<vmem>>
    %dma_wait3A_82 = arith.constant 0 : i32
    %dma_wait3A_83 = tpu.memref_slice %arg6[%dma_wait3A_82] : memref<1000000xf32, #tpu.memory_space<hbm>> -> memref<1000000xf32, #tpu.memory_space<hbm>>
    tpu.wait_indirect_dma semaphore(%arg18 : memref<!tpu.dma_semaphore, #tpu.memory_space<semaphore_mem>>) src(%dma_wait3A_83 : memref<1000000xf32, #tpu.memory_space<hbm>>) dst(%dma_wait3A_79 : memref<128xf32, #tpu.memory_space<vmem>>)
    %dma_wait3A_84 = arith.constant 128 : i32
    %dma_wait3A_85 = tpu.memref_slice %arg15[%dma_wait3A_84] : memref<512xf32, #tpu.memory_space<vmem>> -> memref<128xf32, #tpu.memory_space<vmem>>
    %dma_wait3A_86 = arith.constant 128 : i32
    %dma_wait3A_87 = tpu.memref_slice %arg11[%dma_wait3A_86] : memref<512xi32, #tpu.memory_space<vmem>> -> memref<128xi32, #tpu.memory_space<vmem>>
    %dma_wait3A_88 = arith.constant 0 : i32
    %dma_wait3A_89 = tpu.memref_slice %arg7[%dma_wait3A_88] : memref<100000xf32, #tpu.memory_space<hbm>> -> memref<100000xf32, #tpu.memory_space<hbm>>
    tpu.wait_indirect_dma semaphore(%arg18 : memref<!tpu.dma_semaphore, #tpu.memory_space<semaphore_mem>>) src(%dma_wait3A_89 : memref<100000xf32, #tpu.memory_space<hbm>>) dst(%dma_wait3A_85 : memref<128xf32, #tpu.memory_space<vmem>>)
    %dma_wait3A_90 = arith.constant 256 : i32
    %dma_wait3A_91 = tpu.memref_slice %arg14[%dma_wait3A_90] : memref<512xf32, #tpu.memory_space<vmem>> -> memref<128xf32, #tpu.memory_space<vmem>>
    %dma_wait3A_92 = arith.constant 256 : i32
    %dma_wait3A_93 = tpu.memref_slice %arg10[%dma_wait3A_92] : memref<512xi32, #tpu.memory_space<vmem>> -> memref<128xi32, #tpu.memory_space<vmem>>
    %dma_wait3A_94 = arith.constant 0 : i32
    %dma_wait3A_95 = tpu.memref_slice %arg6[%dma_wait3A_94] : memref<1000000xf32, #tpu.memory_space<hbm>> -> memref<1000000xf32, #tpu.memory_space<hbm>>
    tpu.wait_indirect_dma semaphore(%arg18 : memref<!tpu.dma_semaphore, #tpu.memory_space<semaphore_mem>>) src(%dma_wait3A_95 : memref<1000000xf32, #tpu.memory_space<hbm>>) dst(%dma_wait3A_91 : memref<128xf32, #tpu.memory_space<vmem>>)
    %dma_wait3A_96 = arith.constant 256 : i32
    %dma_wait3A_97 = tpu.memref_slice %arg15[%dma_wait3A_96] : memref<512xf32, #tpu.memory_space<vmem>> -> memref<128xf32, #tpu.memory_space<vmem>>
    %dma_wait3A_98 = arith.constant 256 : i32
    %dma_wait3A_99 = tpu.memref_slice %arg11[%dma_wait3A_98] : memref<512xi32, #tpu.memory_space<vmem>> -> memref<128xi32, #tpu.memory_space<vmem>>
    %dma_wait3A_100 = arith.constant 0 : i32
    %dma_wait3A_101 = tpu.memref_slice %arg7[%dma_wait3A_100] : memref<100000xf32, #tpu.memory_space<hbm>> -> memref<100000xf32, #tpu.memory_space<hbm>>
    tpu.wait_indirect_dma semaphore(%arg18 : memref<!tpu.dma_semaphore, #tpu.memory_space<semaphore_mem>>) src(%dma_wait3A_101 : memref<100000xf32, #tpu.memory_space<hbm>>) dst(%dma_wait3A_97 : memref<128xf32, #tpu.memory_space<vmem>>)
    %dma_wait3A_102 = arith.constant 384 : i32
    %dma_wait3A_103 = tpu.memref_slice %arg14[%dma_wait3A_102] : memref<512xf32, #tpu.memory_space<vmem>> -> memref<128xf32, #tpu.memory_space<vmem>>
    %dma_wait3A_104 = arith.constant 384 : i32
    %dma_wait3A_105 = tpu.memref_slice %arg10[%dma_wait3A_104] : memref<512xi32, #tpu.memory_space<vmem>> -> memref<128xi32, #tpu.memory_space<vmem>>
    %dma_wait3A_106 = arith.constant 0 : i32
    %dma_wait3A_107 = tpu.memref_slice %arg6[%dma_wait3A_106] : memref<1000000xf32, #tpu.memory_space<hbm>> -> memref<1000000xf32, #tpu.memory_space<hbm>>
    tpu.wait_indirect_dma semaphore(%arg18 : memref<!tpu.dma_semaphore, #tpu.memory_space<semaphore_mem>>) src(%dma_wait3A_107 : memref<1000000xf32, #tpu.memory_space<hbm>>) dst(%dma_wait3A_103 : memref<128xf32, #tpu.memory_space<vmem>>)
    %dma_wait3A_108 = arith.constant 384 : i32
    %dma_wait3A_109 = tpu.memref_slice %arg15[%dma_wait3A_108] : memref<512xf32, #tpu.memory_space<vmem>> -> memref<128xf32, #tpu.memory_space<vmem>>
    %dma_wait3A_110 = arith.constant 384 : i32
    %dma_wait3A_111 = tpu.memref_slice %arg11[%dma_wait3A_110] : memref<512xi32, #tpu.memory_space<vmem>> -> memref<128xi32, #tpu.memory_space<vmem>>
    %dma_wait3A_112 = arith.constant 0 : i32
    %dma_wait3A_113 = tpu.memref_slice %arg7[%dma_wait3A_112] : memref<100000xf32, #tpu.memory_space<hbm>> -> memref<100000xf32, #tpu.memory_space<hbm>>
    tpu.wait_indirect_dma semaphore(%arg18 : memref<!tpu.dma_semaphore, #tpu.memory_space<semaphore_mem>>) src(%dma_wait3A_113 : memref<100000xf32, #tpu.memory_space<hbm>>) dst(%dma_wait3A_109 : memref<128xf32, #tpu.memory_space<vmem>>)
    %get3A = arith.constant 0 : index
    %get3A_114 = tpu.vector_load %arg17[%get3A] {strides = array<i32>} : memref<16xf32, #tpu.memory_space<vmem>>, vector<16xf32>,
    %scan3A_115 = arith.constant 0 : i32
    %scan3A_116 = arith.constant 0 : i32
    %scan3A_117 = arith.constant 32 : i32
    %scan3A_118 = arith.addi %scan3A_116, %scan3A_117 : i32
    %scan3A_119 = arith.constant 1 : i32
    scf.for %scan3A_121 = %scan3A_116 to %scan3A_118 step %scan3A_119  : i32 {
      %mul3A_122 = arith.constant 16 : i32
      %mul3A_123 = arith.muli %scan3A_121, %mul3A_122 : i32
      %broadcast_in_dim3A = arith.constant 0.000000e+00 : f32
      %broadcast_in_dim3A_124 = vector.broadcast %broadcast_in_dim3A : f32 to vector<16xf32>
      %scan3A_125 = arith.constant 0 : i32
      %scan3A_126 = arith.constant 84 : i32
      %scan3A_127 = arith.addi %scan3A_125, %scan3A_126 : i32
      %scan3A_128 = arith.constant 1 : i32
      %scan3A_129 = scf.for %scan3A_139 = %scan3A_125 to %scan3A_127 step %scan3A_128 iter_args(%scan3A_140 = %broadcast_in_dim3A_124) -> (vector<16xf32>)  : i32 {
        %get3A_141 = arith.index_cast %scan3A_139 : i32 to index
        %get3A_142 = arith.index_cast %mul3A_123 : i32 to index
        %get3A_143 = tpu.vector_load %arg12[%get3A_141, %get3A_142] {strides = array<i32>} : memref<84x512xf32, #tpu.memory_space<vmem>>, vector<16xf32>,
        %get3A_144 = arith.index_cast %scan3A_139 : i32 to index
        %get3A_145 = arith.index_cast %mul3A_123 : i32 to index
        %get3A_146 = tpu.vector_load %arg13[%get3A_144, %get3A_145] {strides = array<i32>} : memref<84x512xf32, #tpu.memory_space<vmem>>, vector<16xf32>,
        %mul3A_147 = arith.mulf %get3A_143, %get3A_146 : vector<16xf32>
        %add3A_148 = arith.addf %scan3A_140, %mul3A_147 : vector<16xf32>
        scf.yield %add3A_148 : vector<16xf32>
      }
      %scan3A_130 = arith.constant 84 : i32
      %get3A_131 = arith.index_cast %mul3A_123 : i32 to index
      %get3A_132 = tpu.vector_load %arg14[%get3A_131] {strides = array<i32>} : memref<512xf32, #tpu.memory_space<vmem>>, vector<16xf32>,
      %add3A_133 = arith.addf %scan3A_129, %get3A_132 : vector<16xf32>
      %get3A_134 = arith.index_cast %mul3A_123 : i32 to index
      %get3A_135 = tpu.vector_load %arg15[%get3A_134] {strides = array<i32>} : memref<512xf32, #tpu.memory_space<vmem>>, vector<16xf32>,
      %add3A_136 = arith.addf %add3A_133, %get3A_135 : vector<16xf32>
      %add3A_137 = arith.addf %add3A_136, %get3A_114 : vector<16xf32>
      %swap3A = arith.index_cast %mul3A_123 : i32 to index
      %swap3A_138 = tpu.vector_load %arg16[%swap3A] {strides = array<i32>} : memref<512xf32, #tpu.memory_space<vmem>>, vector<16xf32>,
      tpu.vector_store %arg16[%swap3A], %add3A_137 {strides = array<i32>} : memref<512xf32, #tpu.memory_space<vmem>>, vector<16xf32>,
    }
    %scan3A_120 = arith.constant 32 : i32
    "tpu.region"() ({
      %run_scoped3A = tpu.sem_alloc : memref<!tpu.dma_semaphore, #tpu.memory_space<semaphore_mem>>
      %dma_start3A_121 = tpu.memref_slice %arg9[%mul3A_2] : memref<16384xf32, #tpu.memory_space<hbm>> -> memref<512xf32, #tpu.memory_space<hbm>>
      %dma_start3A_122 = tpu.memref_slice %arg9[%mul3A_2] : memref<16384xf32, #tpu.memory_space<hbm>> -> memref<512xf32, #tpu.memory_space<hbm>>
      tpu.enqueue_dma source(%arg16 : memref<512xf32, #tpu.memory_space<vmem>>) target(%dma_start3A_122 : memref<512xf32, #tpu.memory_space<hbm>>) target_semaphore(%run_scoped3A : memref<!tpu.dma_semaphore, #tpu.memory_space<semaphore_mem>>)
      %dma_wait3A_123 = tpu.memref_slice %arg9[%mul3A_2] : memref<16384xf32, #tpu.memory_space<hbm>> -> memref<512xf32, #tpu.memory_space<hbm>>
      %dma_wait3A_124 = tpu.memref_slice %arg9[%mul3A_2] : memref<16384xf32, #tpu.memory_space<hbm>> -> memref<512xf32, #tpu.memory_space<hbm>>
      tpu.wait_dma2 semaphore(%run_scoped3A : memref<!tpu.dma_semaphore, #tpu.memory_space<semaphore_mem>>) src(%arg16 : memref<512xf32, #tpu.memory_space<vmem>>) dst(%dma_wait3A_124 : memref<512xf32, #tpu.memory_space<hbm>>)
      tpu.yield
    }) : () -> ()
    return
  }
}

</mosaic_0001>

<sc_bundles>
// kernel: kernel.3.cloned.1.call-start
scs
__scs_entry_jumppad:
0x0: {  	(pc) =	sbr.rel $0x88, $3  }
0x1: {  	(tag) =	ssettag $0x0;
	lr =	simm.s32 $0x1  }
0x2: {  	[smem:$0x3F9A] =	sst lr;
	_ =	strace $0xD0000000  }
0x3: {  	_ = 	snop  }
0x4: {  	_ = 	snop  }
0x5: {  	_ = 	snop  }
0x6: {  	_ = 	snop  }
0x7: {  	_ = 	snop  }
__scs_overlays_trampoline_lowered:
0x8: {  	[smem:$0x3FA9] =	sst s0  }
0x9: {  	[smem:$0x3FAA] =	sst s1  }
0xa: {  	[smem:$0x3FAB] =	sst s2  }
0xb: {  	[smem:$0x3FAC] =	sst s3  }
0xc: {  	[smem:$0x3FAD] =	sst s4  }
0xd: {  	[smem:$0x3FAE] =	sst s5  }
0xe: {  	[smem:$0x3FAF] =	sst s6  }
0xf: {  	[smem:$0x3FB0] =	sst s7  }
0x10: {  	[smem:$0x3FB1] =	sst s8  }
0x11: {  	[smem:$0x3FB2] =	sst s9;
	s0 =	simm.s32 @!p0 $0x0  }
0x12: {  	s1 =	sld [smem:$0x3F98];
	s0 =	simm.s32 @p0 $0x1  }
0x13: {  	[smem:$0x3FB3] =	sst s0;
	s0 =	simm.s32 @!p1 $0x0  }
0x14: {  	s2 =	sld [smem:$0x3F97];
	s0 =	simm.s32 @p1 $0x1  }
0x15: {  	[smem:$0x3FB4] =	sst s0;
	s0 =	simm.s32 @!p2 $0x0  }
0x16: {  	s3 =	sld [smem:$0x3FDB];
	s0 =	simm.s32 @p2 $0x1  }
0x17: {  	s4 =	simm.s32 $0x1BF5;
	[smem:$0x3FB6] =	sst s0  }
0x18: {  	s0 =	sld [smem:$0x3F99];
	_ =	swait.ge [sflag:s4], $0x0  }
0x19: {  	s7 =	sld [smem:$0x3F9A]  }
0x1a: {  	s8 =	sadd.s32 $0xFFFFE003, lr  }
0x1b: {  	s9 =	sadd.s32 $0xFFFFFEF7, lr;
	s5 =	simm.s32 $0xFFFFFFFF;
	p2 =	slt.u32 s8, $0xFFFFF086  }
0x1c: {  	p1 =	slt.u32 s9, $0xF7A;
	s5 =	simm.s32 @!p2 $0x0  }
0x1d: {  	s5 =	simm.s32 @p1 $0x1;
	p0 =	seq.s32 s7, s2  }
0x1e: {  	s7 =	smul.u32 @!p0 $0xF7A, s2;
	p2 =	seq.s32 @!p0 s5, $0x0  }
0x1f: {  	s9 =	smul.u32 $0xF7A, s1;
	s8 =	simm.s32 @!p0 $0x1BF5;
	p2 =	por !p2, p0  }
0x20: {  	[sflag:s8] =	ssyncset.s32 @!p0 $0xFFFFF086;
	s6 =	sadd.s32 @!p0 s3, s7;
	s7 =	simm.s32 @!p0 $0x108  }
0x21: {  	s3 =	sadd.s32 s3, s9;
	s6 =	sadd.s32 @!p0 $0x88, s6;
	s7 =	simm.s32 @p2 $0x1082  }
0x22: {  	[simem:s7], [sflag:s8] =	dma.local @!p0 [hbm:s6], $0xF7A  }
0x23: {  	s9 =	sor.u32 $0xD0000000, s2;
	s6 =	simm.s32 $0x108;
	_ =	swait.ge @!p0 [sflag:s8], $0x0  }
0x24: {  	s3 =	sadd.s32 $0x88, s3;
	s6 =	simm.s32 @!p1 $0x1082;
	[sflag:s4] =	ssyncset.s32 $0xFFFFF086  }
0x25: {  	[simem:s6], [sflag:s4] =	dma.local [hbm:s3], $0xF7A  }
0x26: {  	[smem:$0x3F9A] =	sst s1;
	(tag) =	ssettag s2;
	_ =	strace s9  }
0x27: {  	s1 =	sld [smem:$0x3FAA]  }
0x28: {  	s2 =	sld [smem:$0x3FAB]  }
0x29: {  	s4 =	sld [smem:$0x3FAD]  }
0x2a: {  	p0 =	seq.s32 s5, $0x0;
	s5 =	sld [smem:$0x3FAE]  }
0x2b: {  	s6 =	sld [smem:$0x3FAF]  }
0x2c: {  	s7 =	sld [smem:$0x3FB0]  }
0x2d: {  	s3 =	simm.s32 $0x108;
	s8 =	sld [smem:$0x3FB1]  }
0x2e: {  	s3 =	simm.s32 @!p0 $0x1082;
	s9 =	sld [smem:$0x3FB2]  }
0x2f: {  	lr =	sadd.s32 s0, s3;
	s0 =	sld [smem:$0x3FA9]  }
0x30: {  	s3 =	sld [smem:$0x3FAC]  }
0x31: {  	[smem:$0x3FB5] =	sst s10  }
0x32: {  	s10 =	sld [smem:$0x3FB3];
	_ =	sdelay $0x3  }
0x33: {  	p0 =	seq.s32 s10, $0x1;
	s10 =	sld [smem:$0x3FB5];
	_ =	sdelay $0x3  }
0x34: {  	[smem:$0x3FB5] =	sst s10  }
0x35: {  	s10 =	sld [smem:$0x3FB4];
	_ =	sdelay $0x3  }
0x36: {  	p1 =	seq.s32 s10, $0x1;
	s10 =	sld [smem:$0x3FB5];
	_ =	sdelay $0x3  }
0x37: {  	[smem:$0x3FB5] =	sst s10  }
0x38: {  	s10 =	sld [smem:$0x3FB6]  }
0x39: {  	_ = 	snop;
	(pc) =	sbr.ind lr, $3  }
0x3a: {  	_ = 	snop  }
0x3b: {  	_ = 	snop  }
0x3c: {  	p2 =	seq.s32 s10, $0x1;
	s10 =	sld [smem:$0x3FB5]  }
0x3d: {  	_ =	shalt  }
0x3e: {  	_ =	shalt  }
0x3f: {  	_ =	shalt  }
0x40: {  	_ =	shalt  }
0x41: {  	_ =	shalt  }
0x42: {  	_ =	shalt  }
0x43: {  	_ =	shalt  }
0x44: {  	_ =	shalt  }
0x45: {  	_ =	shalt  }
0x46: {  	_ =	shalt  }
0x47: {  	_ =	shalt  }
0x48: {  	_ =	shalt  }
0x49: {  	_ =	shalt  }
0x4a: {  	_ =	shalt  }
0x4b: {  	_ =	shalt  }
0x4c: {  	_ =	shalt  }
0x4d: {  	_ =	shalt  }
0x4e: {  	_ =	shalt  }
0x4f: {  	_ =	shalt  }
0x50: {  	_ =	shalt  }
0x51: {  	_ =	shalt  }
0x52: {  	_ =	shalt  }
0x53: {  	_ =	shalt  }
0x54: {  	_ =	shalt  }
0x55: {  	_ =	shalt  }
0x56: {  	_ =	shalt  }
0x57: {  	_ =	shalt  }
0x58: {  	_ =	shalt  }
0x59: {  	_ =	shalt  }
0x5a: {  	_ =	shalt  }
0x5b: {  	_ =	shalt  }
0x5c: {  	_ =	shalt  }
0x5d: {  	_ =	shalt  }
0x5e: {  	_ =	shalt  }
0x5f: {  	_ =	shalt  }
0x60: {  	_ =	shalt  }
0x61: {  	_ =	shalt  }
0x62: {  	_ =	shalt  }
0x63: {  	_ =	shalt  }
0x64: {  	_ =	shalt  }
0x65: {  	_ =	shalt  }
0x66: {  	_ =	shalt  }
0x67: {  	_ =	shalt  }
0x68: {  	_ =	shalt  }
0x69: {  	_ =	shalt  }
0x6a: {  	_ =	shalt  }
0x6b: {  	_ =	shalt  }
0x6c: {  	_ =	shalt  }
0x6d: {  	_ =	shalt  }
0x6e: {  	_ =	shalt  }
0x6f: {  	_ =	shalt  }
0x70: {  	_ =	shalt  }
0x71: {  	_ =	shalt  }
0x72: {  	_ =	shalt  }
0x73: {  	_ =	shalt  }
0x74: {  	_ =	shalt  }
0x75: {  	_ =	shalt  }
0x76: {  	_ =	shalt  }
0x77: {  	_ =	shalt  }
0x78: {  	_ =	shalt  }
0x79: {  	_ =	shalt  }
0x7a: {  	_ =	shalt  }
0x7b: {  	_ =	shalt  }
0x7c: {  	_ =	shalt  }
0x7d: {  	_ =	shalt  }
0x7e: {  	_ =	shalt  }
0x7f: {  	_ =	shalt  }
0x80: {  	_ =	shalt  }
0x81: {  	_ =	shalt  }
0x82: {  	_ =	shalt  }
0x83: {  	_ =	shalt  }
0x84: {  	_ =	shalt  }
0x85: {  	_ =	shalt  }
0x86: {  	_ =	shalt  }
0x87: {  	_ =	shalt  }
.Lfunc_end0:
.L_simem_size_0:
called_computation_lowered:
.L_overlay_start_0:
0x88: {  	s2 =	sld [smem:$0x3FD9]  }
0x89: {  	s3 =	sld [smem:$0x3FFE];
	_ =	sdelay $0x1  }
0x8a: {  	s1 =	srdreg.scid  }
0x8b: {  	s0 =	sand.u32 $0x1, s1  }
0x8c: {  	s17 =	sshll.u32 s0, $0xA;
	s2 =	sadd.s32 s3, s2  }
0x8d: {  	s2 =	sadd.s32 s2, s17  }
0x8e: {  	[smem:$0x3FC1] =	sst s2  }
0x8f: {  	_ = 	snop  }
0x90: {  	s2 =	sld [smem:$0x3FC9]  }
0x91: {  	s18 =	sld [smem:$0x3FC8]  }
0x92: {  	s4 =	sld [smem:$0x3FD0];
	(tm) =	ssettm $0x1  }
0x93: {  	s5 =	sld [smem:$0x3FFB];
	_ =	sdelay $0x3  }
0x94: {  	_ =	strace s5  }
0x95: {  	s5 =	sld [smem:$0x3FFC];
	_ =	sdelay $0x3  }
0x96: {  	_ =	strace s5  }
0x97: {  	s5 =	sld [smem:$0x3FFD];
	_ =	sdelay $0x3  }
0x98: {  	_ =	strace s5  }
0x99: {  	_ =	strace $0x8FFFFFFF  }
0x9a: {  	s19 =	sld [smem:$0x3FDB];
	_ =	sdelay $0x1  }
0x9b: {  	s6 =	simm.s32 $_scs_section_size  }
0x9c: {  	s7 =	simm.s32 $_size__tile_overlayer_lowered;
	s8 =	simm.s32 $_tile_overlayer_lowered  }
0x9d: {  	s22 =	simm.s32 $0x1BFF;
	s21 =	sshll.u32 s8, $0x1;
	s5 =	sadd.s32 s6, s19  }
0x9e: {  	s9 =	simm.s32 $0x0;
	s20 =	sshll.u32 s7, $0x1;
	s7 =	sadd.s32 s21, s5  }
0x9f: {  	[timem:s9], [sflag:s22] =	dma.local [hbm:s7], s20  }
0xa0: {  	_ =	swait.ge [sflag:s22], s20  }
0xa1: {  	s6 =	ssub.s32 $0x0, s20;
	[sflag:s22] =	ssyncset.done $0x0  }
0xa2: {  	[sflag:s22] =	ssyncadd.s32 s6;
	_ =	sdelay $0x1  }
0xa3: {  	s23 =	simm.s32 $0x1B8B  }
0xa4: {  	_ =	swait.ge [sflag:s23], $0x1  }
0xa5: {  	[sflag:s23] =	ssyncset.done $0x0  }
0xa6: {  	s25 =	simm.s32 $0x1B8E;
	s24 =	sld [smem:$0x3FFE];
	[sflag:s23] =	ssyncadd.s32 $0xFFFFFFFF  }
0xa7: {  	s26 =	simm.s32 $execute0_lowered;
	[smem:$0x3FD2] =	sst s25  }
0xa8: {  	s7 =	sshll.u32 s26, $0x1;
	_ =	strace $0x80000046;
	[dreg:$0x1] =	wrdreg $0xFFFFFFFF  }
0xa9: {  	s28 =	simm.s32 $_size_execute0_lowered;
	s5 =	sadd.s32 s5, s7;
	[dreg:$0x0] =	wrdreg $0x0  }
0xaa: {  	s7 =	sshll.u32 s28, $0x1;
	[dreg:$0x2] =	wrdreg s5  }
0xab: {  	[dreg:$0x3] =	wrdreg s7  }
0xac: {  	[dreg:$0x4] =	wrdreg $0xC0  }
0xad: {  	_ =	task [dreg:s9], $0x5FFFF  }
0xae: {  	[dreg:$0x1] =	wrdreg $0xFFFFFFFF  }
0xaf: {  	[dreg:$0x0] =	wrdreg $0x60  }
0xb0: {  	[dreg:$0x2] =	wrdreg s2  }
0xb1: {  	[dreg:$0x3] =	wrdreg s18  }
0xb2: {  	[dreg:$0x4] =	wrdreg s24  }
0xb3: {  	[dreg:$0x5] =	wrdreg s4  }
0xb4: {  	[dreg:$0x6] =	wrdreg $0x9  }
0xb5: {  	_ =	task.clear_ibuf [dreg:s9], $0x7FFFF;
	_ =	strace $0x90000046  }
0xb6: {  	s29 =	simm.s32 $0x9;
	_ =	strace $0x80000048  }
0xb7: {  	_ =	swait.ge [sflag:s29], $0x1  }
0xb8: {  	[sflag:s29] =	ssyncadd.s32 $0xFFFFFFFF  }
0xb9: {  	_ =	strace $0x90000048  }
0xba: {  	_ =	sfence  }
0xbb: {  	s30 =	sld [smem:$0x0];
	_ =	sdelay $0x2  }
0xbc: {  	s31 =	sshll.u32 s1, $0xD;
	s1 =	sshrl.u32 s1, $0x2  }
0xbd: {  	s3 =	sand.u32 $0x4000, s31;
	s1 =	sadd.s32 s1, s30  }
0xbe: {  	s0 =	sor.u32 s3, s0;
	s1 =	sshll.u32 s1, $0x11  }
0xbf: {  	s0 =	sor.u32 s1, s0  }
0xc0: {  	s0 =	sadd.s32 $0x8F2B, s0  }
0xc1: {  	[sflag:s0] =	ssyncadd.remote.s32 $0x1  }
0xc2: {  	_ =	sfence.sel $0xFFFF  }
0xc3: {  	[dreg:$0x0] =	wrdreg $0xFFFFFFFF;
	(pc) =	sbr.abs _section_cstart, $3  }
0xc4: {  	[dreg:$0x1] =	wrdreg $0xFFFFFFFF  }
0xc5: {  	_ =	task.clear_ibuf [dreg:s9], $0x2FFFF;
	_ =	strace $0x9FFFFFFF  }
0xc6: {  	(tm) =	ssettm $0x7FFFFFFF  }
0xc7: {  	_ =	shalt  }
tec
execute0_lowered:
.L_overlay_start_1:
0x0: {  	(tag) =	ssettag $0x1  }
0x1: {  	s0 =	rddreg [dreg:$0x0]  }
0x2: {  	s3 =	rddreg [dreg:$0x1]  }
0x3: {  	s1 =	rddreg [dreg:$0x2]  }
0x4: {  	s5 =	rddreg [dreg:$0x3]  }
0x5: {  	s2 =	simm.s32 $0x0;
	s6 =	srdreg.scid;
	s10 =	stileid.u32  }
0x6: {  	s13 =	simm.s32 $0x200;
	s15 =	simm.s32 $0x80;
	s19 =	simm.s32 $0x280  }
0x7: {  	s21 =	simm.s32 $0x100;
	s23 =	simm.s32 $0x300;
	s25 =	simm.s32 $0x180  }
0x8: {  	s26 =	simm.s32 $0x15580;
	s28 =	simm.s32 $0x380;
	s29 =	simm.s32 $0x15780  }
0x9: {  	s30 =	simm.s32 $0x1;
	s31 =	simm.s32 $0x15800;
	[smem:$0x7FF] =	sst s2  }
0xa: {  	s4 =	sadd.s32 $0x122200, s1;
	s17 =	sadd.s32 $0x21C00, s1;
	s7 =	sand.u32 $0x1, s6  }
0xb: {  	s6 =	sadd.s32 $0x3200, s1;
	s10 =	sshll.u32 s10, $0x7;
	s8 =	ssub.s32 $0x2, s7  }
0xc: {  	_ =	strace $0x80000047;
	s11 =	sshll.u32 s7, $0x6;
	s9 =	sshrl.u32 s8, $0x1  }
0xd: {  	s7 =	sadd.s32 $0xB25A00, s1;
	s10 =	sor.u32 s11, s10;
	s12 =	ssub.s32 s8, s9  }
0xe: {  	s8 =	sadd.s32 s0, s10;
	s9 =	sadd.s32 s3, s10;
	s10 =	sadd.s32 s5, s10  }
0xf: {  	s0 =	simm.s32 $0x0;
	s11 =	smax.u32 s12, $0x1;
	s12 =	simm.s32 $0x2  }
.LBB2_1:
0x10: {  	[tilespmem:s2], [sflag:$0x2] =	stream.linear.gather [hbm4b:s8+s2], $0x200, $0x38;
	[tilespmem:$0x15A10] =	vst v63  }
0x11: {  	_ =	swait.ge [sflag:s12], $0x200  }
0x12: {  	[sflag:s12] =	ssyncset.done $0x0  }
0x13: {  	[sflag:s12] =	ssyncadd.s32 $0xFFFFFE00  }
0x14: {  	[tilespmem:s13], [sflag:$0x2] =	stream.linear.gather [hbm4b:s9+s2], $0x200, $0x38;
	[tilespmem:$0x15A10] =	vst v63  }
0x15: {  	_ =	swait.ge [sflag:s12], $0x200  }
0x16: {  	[sflag:s12] =	ssyncset.done $0x0  }
0x17: {  	s3 =	simm.s32 $0x15A00;
	[sflag:s12] =	ssyncadd.s32 $0xFFFFFE00  }
0x18: {  	[tilespmem:s3], [sflag:$0x2] =	stream.linear.gather [hbm4b:s7+s2], $0x10, $0x38;
	[tilespmem:$0x15A10] =	vst v63  }
0x19: {  	_ =	swait.ge [sflag:s12], $0x10  }
0x1a: {  	[sflag:s12] =	ssyncset.done $0x0  }
0x1b: {  	s14 =	simm.s32 $0x15400;
	[sflag:s12] =	ssyncadd.s32 $0xFFFFFFF0  }
0x1c: {  	[tilespmem:s14], [sflag:$0x1] =	stream.indirect.gather [hbm4b:s6+s15], $0x1, s2, s15, $0xb8;
	[tilespmem:$0x15A10] =	vst v63  }
0x1d: {  	s16 =	simm.s32 $0x15600  }
0x1e: {  	[tilespmem:s16], [sflag:$0x1] =	stream.indirect.gather [hbm4b:s1+s15], $0x1, s13, s15, $0xb8;
	[tilespmem:$0x15A10] =	vst v63  }
0x1f: {  	s18 =	simm.s32 $0x15480  }
0x20: {  	[tilespmem:s18], [sflag:$0x1] =	stream.indirect.gather [hbm4b:s6+s15], $0x1, s15, s15, $0xb8;
	[tilespmem:$0x15A10] =	vst v63  }
0x21: {  	s20 =	simm.s32 $0x15680  }
0x22: {  	[tilespmem:s20], [sflag:$0x1] =	stream.indirect.gather [hbm4b:s1+s15], $0x1, s19, s15, $0xb8;
	[tilespmem:$0x15A10] =	vst v63  }
0x23: {  	s22 =	simm.s32 $0x15500  }
0x24: {  	[tilespmem:s22], [sflag:$0x1] =	stream.indirect.gather [hbm4b:s6+s15], $0x1, s21, s15, $0xb8;
	[tilespmem:$0x15A10] =	vst v63  }
0x25: {  	s24 =	simm.s32 $0x15700  }
0x26: {  	[tilespmem:s24], [sflag:$0x1] =	stream.indirect.gather [hbm4b:s1+s15], $0x1, s23, s15, $0xb8;
	[tilespmem:$0x15A10] =	vst v63  }
0x27: {  	_ = 	snop  }
0x28: {  	[tilespmem:s26], [sflag:$0x1] =	stream.indirect.gather [hbm4b:s6+s15], $0x1, s25, s15, $0xb8;
	[tilespmem:$0x15A10] =	vst v63  }
0x29: {  	_ = 	snop  }
0x2a: {  	[tilespmem:s29], [sflag:$0x1] =	stream.indirect.gather [hbm4b:s1+s15], $0x1, s28, s15, $0xb8;
	[tilespmem:$0x15A10] =	vst v63  }
0x2b: {  	s5 =	simm.s32 $0x400  }
0x2c: {  	[tilespmem:s5], [sflag:$0x1] =	stream.indirect.gather [hbm4b:s4+s15], $0x1, s2, s15, $0xb8;
	[tilespmem:$0x15A10] =	vst v63  }
0x2d: {  	s14 =	simm.s32 $0xAC00  }
0x2e: {  	[tilespmem:s14], [sflag:$0x1] =	stream.indirect.gather [hbm4b:s17+s15], $0x1, s13, s15, $0xb8;
	[tilespmem:$0x15A10] =	vst v63  }
0x2f: {  	s16 =	simm.s32 $0x480  }
0x30: {  	[tilespmem:s16], [sflag:$0x1] =	stream.indirect.gather [hbm4b:s4+s15], $0x1, s15, s15, $0xb8;
	[tilespmem:$0x15A10] =	vst v63  }
0x31: {  	s18 =	simm.s32 $0xAC80  }
0x32: {  	[tilespmem:s18], [sflag:$0x1] =	stream.indirect.gather [hbm4b:s17+s15], $0x1, s19, s15, $0xb8;
	[tilespmem:$0x15A10] =	vst v63  }
0x33: {  	s3 =	sadd.s32 $0x30D4, s17;
	s20 =	simm.s32 $0x500;
	s22 =	simm.s32 $0xAD00  }
0x34: {  	[tilespmem:s20], [sflag:$0x1] =	stream.indirect.gather [hbm4b:s4+s15], $0x1, s21, s15, $0xb8;
	[tilespmem:$0x15A10] =	vst v63  }
0x35: {  	s24 =	simm.s32 $0x580;
	s5 =	smov.u32 s17;
	s14 =	simm.s32 $0x200  }
0x36: {  	[tilespmem:s22], [sflag:$0x1] =	stream.indirect.gather [hbm4b:s17+s15], $0x1, s23, s15, $0xb8;
	[tilespmem:$0x15A10] =	vst v63  }
0x37: {  	s16 =	sadd.s32 $0x1E848, s4;
	s18 =	simm.s32 $0x1000;
	s20 =	simm.s32 $0xAD80  }
0x38: {  	[tilespmem:s24], [sflag:$0x1] =	stream.indirect.gather [hbm4b:s4+s15], $0x1, s25, s15, $0xb8;
	[tilespmem:$0x15A10] =	vst v63  }
.LBB2_2:
0x39: {  	[tilespmem:s20], [sflag:$0x1] =	stream.indirect.gather [hbm4b:s5+s15], $0x1, s28, s15, $0xb8;
	[tilespmem:$0x15A10] =	vst v63  }
0x3a: {  	s20 =	smov.u32 s14;
	s14 =	smov.u32 s18;
	s5 =	smov.u32 s3  }
0x3b: {  	s22 =	sadd.s32 $0x800, s18;
	s14 =	sshra.s32 s14, $0x2;
	s24 =	sadd.s32 $0x400, s20  }
0x3c: {  	[tilespmem:s24], [sflag:$0x1] =	stream.indirect.gather [hbm4b:s16+s15], $0x1, s2, s15, $0xb8;
	[tilespmem:$0x15A10] =	vst v63  }
0x3d: {  	p0 =	sne.s32 s18, $0x29800;
	s18 =	sadd.s32 $0xAC00, s20  }
0x3e: {  	[tilespmem:s18], [sflag:$0x1] =	stream.indirect.gather [hbm4b:s3+s15], $0x1, s13, s15, $0xb8;
	[tilespmem:$0x15A10] =	vst v63  }
0x3f: {  	s18 =	sadd.s32 $0x480, s20  }
0x40: {  	[tilespmem:s18], [sflag:$0x1] =	stream.indirect.gather [hbm4b:s16+s15], $0x1, s15, s15, $0xb8;
	[tilespmem:$0x15A10] =	vst v63  }
0x41: {  	s18 =	sadd.s32 $0xAC80, s20  }
0x42: {  	[tilespmem:s18], [sflag:$0x1] =	stream.indirect.gather [hbm4b:s3+s15], $0x1, s19, s15, $0xb8;
	[tilespmem:$0x15A10] =	vst v63  }
0x43: {  	s18 =	sadd.s32 $0x500, s20  }
0x44: {  	[tilespmem:s18], [sflag:$0x1] =	stream.indirect.gather [hbm4b:s16+s15], $0x1, s21, s15, $0xb8;
	[tilespmem:$0x15A10] =	vst v63  }
.Ltmp0:
0x45: {  	s18 =	sadd.s32 $0xAD00, s20;
	(pc) =	sbr.rel @p0 .LBB2_2-.Ltmp0, $4  }
0x46: {  	[tilespmem:s18], [sflag:$0x1] =	stream.indirect.gather [hbm4b:s3+s15], $0x1, s23, s15, $0xb8;
	[tilespmem:$0x15A10] =	vst v63  }
0x47: {  	s18 =	sadd.s32 $0x580, s20;
	s20 =	sadd.s32 $0xAD80, s20  }
0x48: {  	[tilespmem:s18], [sflag:$0x1] =	stream.indirect.gather [hbm4b:s16+s15], $0x1, s25, s15, $0xb8;
	[tilespmem:$0x15A10] =	vst v63  }
0x49: {  	s3 =	sadd.s32 $0x30D4, s3;
	s16 =	sadd.s32 $0x1E848, s16;
	s18 =	smov.u32 s22  }
0x4a: {  	[tilespmem:s20], [sflag:$0x1] =	stream.indirect.gather [hbm4b:s5+s15], $0x1, s28, s15, $0xb8;
	[tilespmem:$0x15A10] =	vst v63  }
0x4b: {  	s18 =	sadd.s32 $0x400, s14  }
0x4c: {  	[tilespmem:s18], [sflag:$0x1] =	stream.indirect.gather [hbm4b:s16+s15], $0x1, s2, s15, $0xb8;
	[tilespmem:$0x15A10] =	vst v63  }
0x4d: {  	s20 =	sadd.s32 $0xAC00, s14  }
0x4e: {  	[tilespmem:s20], [sflag:$0x1] =	stream.indirect.gather [hbm4b:s3+s15], $0x1, s13, s15, $0xb8;
	[tilespmem:$0x15A10] =	vst v63  }
0x4f: {  	s22 =	sadd.s32 $0x480, s14  }
0x50: {  	[tilespmem:s22], [sflag:$0x1] =	stream.indirect.gather [hbm4b:s16+s15], $0x1, s15, s15, $0xb8;
	[tilespmem:$0x15A10] =	vst v63  }
0x51: {  	s24 =	sadd.s32 $0xAC80, s14  }
0x52: {  	[tilespmem:s24], [sflag:$0x1] =	stream.indirect.gather [hbm4b:s3+s15], $0x1, s19, s15, $0xb8;
	[tilespmem:$0x15A10] =	vst v63  }
0x53: {  	s18 =	sadd.s32 $0x500, s14  }
0x54: {  	[tilespmem:s18], [sflag:$0x1] =	stream.indirect.gather [hbm4b:s16+s15], $0x1, s21, s15, $0xb8;
	[tilespmem:$0x15A10] =	vst v63  }
0x55: {  	s20 =	sadd.s32 $0xAD00, s14  }
0x56: {  	[tilespmem:s20], [sflag:$0x1] =	stream.indirect.gather [hbm4b:s3+s15], $0x1, s23, s15, $0xb8;
	[tilespmem:$0x15A10] =	vst v63  }
0x57: {  	s22 =	sadd.s32 $0x580, s14  }
0x58: {  	[tilespmem:s22], [sflag:$0x1] =	stream.indirect.gather [hbm4b:s16+s15], $0x1, s25, s15, $0xb8;
	[tilespmem:$0x15A10] =	vst v63  }
0x59: {  	s24 =	sadd.s32 $0xAD80, s14  }
0x5a: {  	[tilespmem:s24], [sflag:$0x1] =	stream.indirect.gather [hbm4b:s3+s15], $0x1, s28, s15, $0xb8;
	[tilespmem:$0x15A10] =	vst v63  }
0x5b: {  	_ =	swait.ge [sflag:s30], $0xA800  }
0x5c: {  	[sflag:s30] =	ssyncset.done $0x0  }
0x5d: {  	[sflag:s30] =	ssyncadd.s32 $0xFFFF5800  }
0x5e: {  	_ =	swait.ge [sflag:s30], $0xA800  }
0x5f: {  	[sflag:s30] =	ssyncset.done $0x0  }
0x60: {  	[sflag:s30] =	ssyncadd.s32 $0xFFFF5800  }
0x61: {  	_ =	swait.ge [sflag:s30], $0x80  }
0x62: {  	[sflag:s30] =	ssyncset.done $0x0  }
0x63: {  	[sflag:s30] =	ssyncadd.s32 $0xFFFFFF80  }
0x64: {  	_ =	swait.ge [sflag:s30], $0x80  }
0x65: {  	[sflag:s30] =	ssyncset.done $0x0  }
0x66: {  	[sflag:s30] =	ssyncadd.s32 $0xFFFFFF80  }
0x67: {  	_ =	swait.ge [sflag:s30], $0x80  }
0x68: {  	[sflag:s30] =	ssyncset.done $0x0  }
0x69: {  	[sflag:s30] =	ssyncadd.s32 $0xFFFFFF80  }
0x6a: {  	_ =	swait.ge [sflag:s30], $0x80  }
0x6b: {  	[sflag:s30] =	ssyncset.done $0x0  }
0x6c: {  	[sflag:s30] =	ssyncadd.s32 $0xFFFFFF80  }
0x6d: {  	_ =	swait.ge [sflag:s30], $0x80  }
0x6e: {  	[sflag:s30] =	ssyncset.done $0x0  }
0x6f: {  	[sflag:s30] =	ssyncadd.s32 $0xFFFFFF80  }
0x70: {  	_ =	swait.ge [sflag:s30], $0x80  }
0x71: {  	[sflag:s30] =	ssyncset.done $0x0  }
0x72: {  	[sflag:s30] =	ssyncadd.s32 $0xFFFFFF80  }
0x73: {  	_ =	swait.ge [sflag:s30], $0x80  }
0x74: {  	[sflag:s30] =	ssyncset.done $0x0  }
0x75: {  	[sflag:s30] =	ssyncadd.s32 $0xFFFFFF80  }
0x76: {  	_ =	swait.ge [sflag:s30], $0x80  }
0x77: {  	[sflag:s30] =	ssyncset.done $0x0  }
0x78: {  	[sflag:s30] =	ssyncadd.s32 $0xFFFFFF80  }
0x79: {  	s5 =	simm.s32 $0x400;
	s14 =	simm.s32 $0xAC00;
	s3 =	simm.s32 $0x0;
	v0 =	vld [tilespmem:$0x15A00]  }
.LBB2_4:
0x7a: {  	v1 =	vmov s5  }
0x7b: {  	v3 =	vmov s14;
	_ =	sdelay $0x2  }
0x7c: {  	s20 =	simm.s32 $0x0  }
0x7d: {  	v4 =	vld.idx.msk [tilespmem:v1+s20+$0x0 ss:$0x1], $0xffff  }
0x7e: {  	v5 =	vld.idx.msk [tilespmem:v3+s20+$0x0 ss:$0x1], $0xffff  }
0x7f: {  	s16 =	sshll.u32 s3, $0x4;
	v2 =	vimm.f32 $0.0e+00;
	s18 =	simm.s32 $0x800  }
.LBB2_5:
0x80: {  	p0 =	sne.s32 s18, $0x29800  }
.Ltmp1:
0x81: {  	s20 =	sshra.s32 s18, $0x2;
	(pc) =	sbr.rel @p0 .LBB2_5-.Ltmp1, $3  }
0x82: {  	s18 =	sadd.s32 $0x800, s18;
	v6 =	vmov v4;
	v4 =	vld.idx.msk [tilespmem:v1+s20+$0x0 ss:$0x1], $0xffff  }
0x83: {  	v6 =	vmul.f32 v5, v6;
	v5 =	vld.idx.msk [tilespmem:v3+s20+$0x0 ss:$0x1], $0xffff;
	_ =	sdelay $0x1  }
0x84: {  	v2 =	vadd.f32 v6, v2  }
0x85: {  	_ = 	snop  }
0x86: {  	v1 =	vld [tilespmem:s16+$0x15400]  }
0x87: {  	v3 =	vmul.f32 v5, v4  }
0x88: {  	v63 =	vld [tilespmem:s16+$0x15600]  }
0x89: {  	v2 =	vadd.f32 v3, v2;
	_ =	sdelay $0x1  }
0x8a: {  	s3 =	sadd.s32 $0x1, s3;
	v1 =	vadd.f32 v1, v2  }
0x8b: {  	p0 =	sne.s32 s3, $0x20  }
.Ltmp2:
0x8c: {  	v1 =	vadd.f32 v63, v1;
	(pc) =	sbr.rel @p0 .LBB2_4-.Ltmp2, $3  }
0x8d: {  	_ = 	snop  }
0x8e: {  	v1 =	vadd.f32 v1, v0;
	_ =	sdelay $0x1  }
0x8f: {  	s5 =	sadd.s32 $0x10, s5;
	s14 =	sadd.s32 $0x10, s14;
	[tilespmem:s16+$0x15800] =	vst v1  }
0x90: {  	s0 =	sadd.s32 $0x1, s0  }
0x91: {  	p0 =	sne.s32 s0, s11  }
.Ltmp3:
0x92: {  	_ = 	snop;
	(pc) =	sbr.rel @p0 .LBB2_1-.Ltmp3, $4  }
0x93: {  	[hbm4b:s10+s2] =	stream.linear.scatter [tilespmem:s31], [sflag:$0x2], $0x200, $0x38;
	[tilespmem:$0x15A10] =	vst v63  }
0x94: {  	_ =	swait.ge [sflag:s12], $0x200  }
0x95: {  	[sflag:s12] =	ssyncset.done $0x0  }
0x96: {  	[sflag:s12] =	ssyncadd.s32 $0xFFFFFE00  }
0x97: {  	_ =	sfence.sel $0x180000  }
0x98: {  	[bflag:$0x0] =	sbarrier.arrive $0xFFFF  }
0x99: {  	_ =	strace $0x90000047  }
0x9a: {  	s0 =	stileid.u32;
	[bflag:$0x2] =	sbarrier.arrive $0xFFFF  }
0x9b: {  	p0 =	sne.s32 s0, $0x0;
	s0 =	rddreg [dreg:$0x4]  }
0x9c: {  	s0 =	sadd.s32 @!p0 $0x100000, s0  }
0x9d: {  	[sflag:s0] =	ssyncadd.tile.s32 @!p0 $0x1;
	_ =	shalt  }
.Lfunc_end2:
_tile_overlayer_lowered:
.L_overlay_start_2:
0x9e: {  	(tag) =	ssettag $0x2  }
0x9f: {  	s0 =	rddreg [dreg:$0x0];
	s2 =	stileid.u32  }
0xa0: {  	s1 =	rddreg [dreg:$0x1];
	p0 =	sne.s32 s2, $0x0  }
0xa1: {  	s3 =	rddreg [dreg:$0x2];
	[bflag:$0x3] =	sbarrier.arrive $0xFFFF;
	s2 =	simm.s32 @!p0 $0x1C02  }
0xa2: {  	[timem:s3], [sflag:s2] =	dma.local @!p0 [hbm:s0], s1  }
0xa3: {  	s0 =	simm.s32 @!p0 $0x2  }
0xa4: {  	_ =	swait.ge @!p0 [sflag:s0], s1  }
0xa5: {  	s1 =	ssub.s32 @!p0 $0x0, s1;
	[sflag:s0] =	ssyncset.done @!p0 $0x0  }
0xa6: {  	[sflag:s0] =	ssyncadd.s32 @!p0 s1  }
0xa7: {  	[bflag:$0x3] =	sbarrier.arrive $0xFFFF  }
0xa8: {  	_ =	shalt  }

</sc_bundles>
